<compile_context>
chip_gen: v7x
topology: tpu7x:2x2x1
jax: 0.10.2.dev20260603
libtpu: 0.0.44.dev20260713+nightly
codegen_flags: <defaults>
</compile_context>

<pallas_src>
import functools

import jax
import jax.numpy as jnp
from jax import lax
from jax.experimental import pallas as pl
from jax.experimental.pallas import tpu as pltpu
from jax.experimental.pallas import tpu_sc as plsc

_LANES = 16
_NBUF = 8
_LAG = 4


def _booleanize_sc(mask_flat):
    n = mask_flat.shape[0]
    info = plsc.get_sparse_core_info()
    nc, ns = info.num_cores, info.num_subcores
    nw = nc * ns
    per_w = n // nw
    assert per_w % _LANES == 0 and n % nw == 0

    mesh = plsc.VectorSubcoreMesh(core_axis_name="c", subcore_axis_name="s")

    @functools.partial(
        pl.kernel,
        mesh=mesh,
        out_type=jax.ShapeDtypeStruct((n,), jnp.int32),
        compiler_params=pltpu.CompilerParams(needs_layout_passes=False),
        scratch_types=[
            pltpu.VMEM((per_w,), jnp.float32),
            pltpu.VMEM((per_w,), jnp.int32),
        ],
    )
    def k(m_hbm, out_hbm, m_v, o_v):
        wid = lax.axis_index("s") * nc + lax.axis_index("c")
        base = wid * per_w
        pltpu.sync_copy(m_hbm.at[pl.ds(base, per_w)], m_v)
        for i in range(per_w // _LANES):
            sl = pl.ds(i * _LANES, _LANES)
            o_v[sl] = (m_v[sl] != 0.0).astype(jnp.int32)
        pltpu.sync_copy(o_v, out_hbm.at[pl.ds(base, per_w)])

    return k(mask_flat)


def _passthrough_tc(x, v, U):
    R = 8
    Uf = U.reshape(-1, U.shape[-2], U.shape[-1])
    n = Uf.shape[0] // R

    def body(u_in, x_in, v_in, u_out, x_out, v_out):
        u_out[...] = u_in[...]
        x_out[...] = x_in[...]
        v_out[...] = v_in[...]

    ou, ox, ov = pl.pallas_call(
        body,
        grid=(n,),
        in_specs=[
            pl.BlockSpec((R, 512, 512), lambda i: (i, 0, 0)),
            pl.BlockSpec((1,) + x.shape[1:], lambda i: (i, 0, 0)),
            pl.BlockSpec((1,) + v.shape[1:], lambda i: (i, 0, 0)),
        ],
        out_specs=[
            pl.BlockSpec((R, 512, 512), lambda i: (i, 0, 0)),
            pl.BlockSpec((1,) + x.shape[1:], lambda i: (i, 0, 0)),
            pl.BlockSpec((1,) + v.shape[1:], lambda i: (i, 0, 0)),
        ],
        out_shape=[
            jax.ShapeDtypeStruct(Uf.shape, Uf.dtype),
            jax.ShapeDtypeStruct(x.shape, x.dtype),
            jax.ShapeDtypeStruct(v.shape, v.dtype),
        ],
        compiler_params=pltpu.CompilerParams(
            dimension_semantics=("parallel",),
            vmem_limit_bytes=100 * 1024 * 1024,
        ),
    )(Uf, x, v)
    return ou.reshape(U.shape), ox, ov


def kernel(x, v, mask, U):
    mi = _booleanize_sc(mask.reshape(-1))
    oU, ox, ov = _passthrough_tc(x, v, U)
    mb = mi.astype(jnp.bool_).reshape(mask.shape)
    return (ox, ov, mb, oU)

# --- scband reference (transcript-rebuilt; emitter-appended) ---
"""Pipeline reference for scband-sequence-trimmer-32890859553318 (READ-ONLY COPY).

The authoritative reference and input builder live on the scoring server;
editing this copy changes nothing except your own understanding.
"""

import jax, jax.numpy as jnp
import numpy as np


def setup_inputs(seed: int = 0) -> dict:
    key = jax.random.key(seed)
    k1, k2, k3 = jax.random.split(key, 3)
    x = jax.random.normal(k1, (16, 128, 512), dtype=jnp.float32)
    v = jax.random.normal(k2, (16, 4, 512), dtype=jnp.float32)
    mask = jnp.ones((16, 1, 512), dtype=jnp.float32)
    U = jax.random.normal(k3, (16, 8, 512, 512), dtype=jnp.float32)
    return {"x": x, "v": v, "mask": mask, "U": U}


def reference(x, v=None, mask=None, U=None):
    # SequenceTrimmer with enabled=False: the trimming / random-permutation
    # branch is never taken; forward only materializes/booleanizes the mask
    # and passes tensors through unchanged.
    if mask is None:
        mask = jnp.ones_like(x[:, :1])
    mask = mask.astype(bool)
    return (x, v, mask, U)

if __name__ == "__main__":
    import jax
    _d = setup_inputs()
    print(jax.jit(kernel)(*tuple(_d.values())))

</pallas_src>

<mosaic_0001>
#map = affine_map<(d0, d1) -> (0)>
module attributes {stable_mosaic.version = 14 : i64} {
  func.func @k(%arg0: i32, %arg1: i32, %arg2: memref<8192xf32, #tpu.memory_space<hbm>>, %arg3: memref<8192xi32, #tpu.memory_space<hbm>>, %arg4: memref<256xf32, #tpu.memory_space<vmem>>, %arg5: memref<256xi32, #tpu.memory_space<vmem>>) attributes {dimension_semantics = [#tpu.dimension_semantics<core_parallel>, #tpu.dimension_semantics<subcore_parallel>], iteration_bounds = array<i64: 2, 16>, scalar_prefetch = 0 : i64, scratch_operands = 2 : i64, tpu.core_type = #tpu.core_type<sc_vector_subcore>, window_params = [{transform_indices = #map}, {transform_indices = #map}]} {
    %mul3A = arith.constant 2 : i32
    %mul3A_0 = arith.muli %arg1, %mul3A : i32
    %add3A = arith.addi %mul3A_0, %arg0 : i32
    %mul3A_1 = arith.constant 256 : i32
    %mul3A_2 = arith.muli %add3A, %mul3A_1 : i32
    "tpu.region"() ({
      %run_scoped3A = tpu.sem_alloc : memref<!tpu.dma_semaphore, #tpu.memory_space<semaphore_mem>>
      %dma_start3A = tpu.memref_slice %arg2[%mul3A_2] : memref<8192xf32, #tpu.memory_space<hbm>> -> memref<256xf32, #tpu.memory_space<hbm>>
      %dma_start3A_127 = tpu.memref_slice %arg2[%mul3A_2] : memref<8192xf32, #tpu.memory_space<hbm>> -> memref<256xf32, #tpu.memory_space<hbm>>
      tpu.enqueue_dma source(%dma_start3A_127 : memref<256xf32, #tpu.memory_space<hbm>>) target(%arg4 : memref<256xf32, #tpu.memory_space<vmem>>) target_semaphore(%run_scoped3A : memref<!tpu.dma_semaphore, #tpu.memory_space<semaphore_mem>>)
      %dma_wait3A = tpu.memref_slice %arg2[%mul3A_2] : memref<8192xf32, #tpu.memory_space<hbm>> -> memref<256xf32, #tpu.memory_space<hbm>>
      %dma_wait3A_128 = tpu.memref_slice %arg2[%mul3A_2] : memref<8192xf32, #tpu.memory_space<hbm>> -> memref<256xf32, #tpu.memory_space<hbm>>
      tpu.wait_dma2 semaphore(%run_scoped3A : memref<!tpu.dma_semaphore, #tpu.memory_space<semaphore_mem>>) src(%dma_wait3A_128 : memref<256xf32, #tpu.memory_space<hbm>>) dst(%arg4 : memref<256xf32, #tpu.memory_space<vmem>>)
      tpu.yield
    }) : () -> ()
    %get3A = arith.constant 0 : index
    %get3A_3 = tpu.vector_load %arg4[%get3A] {strides = array<i32>} : memref<256xf32, #tpu.memory_space<vmem>>, vector<16xf32>,
    %ne3A = arith.constant 0.000000e+00 : f32
    %ne3A_4 = vector.broadcast %ne3A : f32 to vector<16xf32>
    %ne3A_5 = arith.cmpf one, %get3A_3, %ne3A_4 : vector<16xf32>
    %convert_element_type3A = arith.extui %ne3A_5 : vector<16xi1> to vector<16xi32>
    %swap3A = arith.constant 0 : index
    %swap3A_6 = tpu.vector_load %arg5[%swap3A] {strides = array<i32>} : memref<256xi32, #tpu.memory_space<vmem>>, vector<16xi32>,
    tpu.vector_store %arg5[%swap3A], %convert_element_type3A {strides = array<i32>} : memref<256xi32, #tpu.memory_space<vmem>>, vector<16xi32>,
    %get3A_7 = arith.constant 16 : index
    %get3A_8 = tpu.vector_load %arg4[%get3A_7] {strides = array<i32>} : memref<256xf32, #tpu.memory_space<vmem>>, vector<16xf32>,
    %ne3A_9 = arith.constant 0.000000e+00 : f32
    %ne3A_10 = vector.broadcast %ne3A_9 : f32 to vector<16xf32>
    %ne3A_11 = arith.cmpf one, %get3A_8, %ne3A_10 : vector<16xf32>
    %convert_element_type3A_12 = arith.extui %ne3A_11 : vector<16xi1> to vector<16xi32>
    %swap3A_13 = arith.constant 16 : index
    %swap3A_14 = tpu.vector_load %arg5[%swap3A_13] {strides = array<i32>} : memref<256xi32, #tpu.memory_space<vmem>>, vector<16xi32>,
    tpu.vector_store %arg5[%swap3A_13], %convert_element_type3A_12 {strides = array<i32>} : memref<256xi32, #tpu.memory_space<vmem>>, vector<16xi32>,
    %get3A_15 = arith.constant 32 : index
    %get3A_16 = tpu.vector_load %arg4[%get3A_15] {strides = array<i32>} : memref<256xf32, #tpu.memory_space<vmem>>, vector<16xf32>,
    %ne3A_17 = arith.constant 0.000000e+00 : f32
    %ne3A_18 = vector.broadcast %ne3A_17 : f32 to vector<16xf32>
    %ne3A_19 = arith.cmpf one, %get3A_16, %ne3A_18 : vector<16xf32>
    %convert_element_type3A_20 = arith.extui %ne3A_19 : vector<16xi1> to vector<16xi32>
    %swap3A_21 = arith.constant 32 : index
    %swap3A_22 = tpu.vector_load %arg5[%swap3A_21] {strides = array<i32>} : memref<256xi32, #tpu.memory_space<vmem>>, vector<16xi32>,
    tpu.vector_store %arg5[%swap3A_21], %convert_element_type3A_20 {strides = array<i32>} : memref<256xi32, #tpu.memory_space<vmem>>, vector<16xi32>,
    %get3A_23 = arith.constant 48 : index
    %get3A_24 = tpu.vector_load %arg4[%get3A_23] {strides = array<i32>} : memref<256xf32, #tpu.memory_space<vmem>>, vector<16xf32>,
    %ne3A_25 = arith.constant 0.000000e+00 : f32
    %ne3A_26 = vector.broadcast %ne3A_25 : f32 to vector<16xf32>
    %ne3A_27 = arith.cmpf one, %get3A_24, %ne3A_26 : vector<16xf32>
    %convert_element_type3A_28 = arith.extui %ne3A_27 : vector<16xi1> to vector<16xi32>
    %swap3A_29 = arith.constant 48 : index
    %swap3A_30 = tpu.vector_load %arg5[%swap3A_29] {strides = array<i32>} : memref<256xi32, #tpu.memory_space<vmem>>, vector<16xi32>,
    tpu.vector_store %arg5[%swap3A_29], %convert_element_type3A_28 {strides = array<i32>} : memref<256xi32, #tpu.memory_space<vmem>>, vector<16xi32>,
    %get3A_31 = arith.constant 64 : index
    %get3A_32 = tpu.vector_load %arg4[%get3A_31] {strides = array<i32>} : memref<256xf32, #tpu.memory_space<vmem>>, vector<16xf32>,
    %ne3A_33 = arith.constant 0.000000e+00 : f32
    %ne3A_34 = vector.broadcast %ne3A_33 : f32 to vector<16xf32>
    %ne3A_35 = arith.cmpf one, %get3A_32, %ne3A_34 : vector<16xf32>
    %convert_element_type3A_36 = arith.extui %ne3A_35 : vector<16xi1> to vector<16xi32>
    %swap3A_37 = arith.constant 64 : index
    %swap3A_38 = tpu.vector_load %arg5[%swap3A_37] {strides = array<i32>} : memref<256xi32, #tpu.memory_space<vmem>>, vector<16xi32>,
    tpu.vector_store %arg5[%swap3A_37], %convert_element_type3A_36 {strides = array<i32>} : memref<256xi32, #tpu.memory_space<vmem>>, vector<16xi32>,
    %get3A_39 = arith.constant 80 : index
    %get3A_40 = tpu.vector_load %arg4[%get3A_39] {strides = array<i32>} : memref<256xf32, #tpu.memory_space<vmem>>, vector<16xf32>,
    %ne3A_41 = arith.constant 0.000000e+00 : f32
    %ne3A_42 = vector.broadcast %ne3A_41 : f32 to vector<16xf32>
    %ne3A_43 = arith.cmpf one, %get3A_40, %ne3A_42 : vector<16xf32>
    %convert_element_type3A_44 = arith.extui %ne3A_43 : vector<16xi1> to vector<16xi32>
    %swap3A_45 = arith.constant 80 : index
    %swap3A_46 = tpu.vector_load %arg5[%swap3A_45] {strides = array<i32>} : memref<256xi32, #tpu.memory_space<vmem>>, vector<16xi32>,
    tpu.vector_store %arg5[%swap3A_45], %convert_element_type3A_44 {strides = array<i32>} : memref<256xi32, #tpu.memory_space<vmem>>, vector<16xi32>,
    %get3A_47 = arith.constant 96 : index
    %get3A_48 = tpu.vector_load %arg4[%get3A_47] {strides = array<i32>} : memref<256xf32, #tpu.memory_space<vmem>>, vector<16xf32>,
    %ne3A_49 = arith.constant 0.000000e+00 : f32
    %ne3A_50 = vector.broadcast %ne3A_49 : f32 to vector<16xf32>
    %ne3A_51 = arith.cmpf one, %get3A_48, %ne3A_50 : vector<16xf32>
    %convert_element_type3A_52 = arith.extui %ne3A_51 : vector<16xi1> to vector<16xi32>
    %swap3A_53 = arith.constant 96 : index
    %swap3A_54 = tpu.vector_load %arg5[%swap3A_53] {strides = array<i32>} : memref<256xi32, #tpu.memory_space<vmem>>, vector<16xi32>,
    tpu.vector_store %arg5[%swap3A_53], %convert_element_type3A_52 {strides = array<i32>} : memref<256xi32, #tpu.memory_space<vmem>>, vector<16xi32>,
    %get3A_55 = arith.constant 112 : index
    %get3A_56 = tpu.vector_load %arg4[%get3A_55] {strides = array<i32>} : memref<256xf32, #tpu.memory_space<vmem>>, vector<16xf32>,
    %ne3A_57 = arith.constant 0.000000e+00 : f32
    %ne3A_58 = vector.broadcast %ne3A_57 : f32 to vector<16xf32>
    %ne3A_59 = arith.cmpf one, %get3A_56, %ne3A_58 : vector<16xf32>
    %convert_element_type3A_60 = arith.extui %ne3A_59 : vector<16xi1> to vector<16xi32>
    %swap3A_61 = arith.constant 112 : index
    %swap3A_62 = tpu.vector_load %arg5[%swap3A_61] {strides = array<i32>} : memref<256xi32, #tpu.memory_space<vmem>>, vector<16xi32>,
    tpu.vector_store %arg5[%swap3A_61], %convert_element_type3A_60 {strides = array<i32>} : memref<256xi32, #tpu.memory_space<vmem>>, vector<16xi32>,
    %get3A_63 = arith.constant 128 : index
    %get3A_64 = tpu.vector_load %arg4[%get3A_63] {strides = array<i32>} : memref<256xf32, #tpu.memory_space<vmem>>, vector<16xf32>,
    %ne3A_65 = arith.constant 0.000000e+00 : f32
    %ne3A_66 = vector.broadcast %ne3A_65 : f32 to vector<16xf32>
    %ne3A_67 = arith.cmpf one, %get3A_64, %ne3A_66 : vector<16xf32>
    %convert_element_type3A_68 = arith.extui %ne3A_67 : vector<16xi1> to vector<16xi32>
    %swap3A_69 = arith.constant 128 : index
    %swap3A_70 = tpu.vector_load %arg5[%swap3A_69] {strides = array<i32>} : memref<256xi32, #tpu.memory_space<vmem>>, vector<16xi32>,
    tpu.vector_store %arg5[%swap3A_69], %convert_element_type3A_68 {strides = array<i32>} : memref<256xi32, #tpu.memory_space<vmem>>, vector<16xi32>,
    %get3A_71 = arith.constant 144 : index
    %get3A_72 = tpu.vector_load %arg4[%get3A_71] {strides = array<i32>} : memref<256xf32, #tpu.memory_space<vmem>>, vector<16xf32>,
    %ne3A_73 = arith.constant 0.000000e+00 : f32
    %ne3A_74 = vector.broadcast %ne3A_73 : f32 to vector<16xf32>
    %ne3A_75 = arith.cmpf one, %get3A_72, %ne3A_74 : vector<16xf32>
    %convert_element_type3A_76 = arith.extui %ne3A_75 : vector<16xi1> to vector<16xi32>
    %swap3A_77 = arith.constant 144 : index
    %swap3A_78 = tpu.vector_load %arg5[%swap3A_77] {strides = array<i32>} : memref<256xi32, #tpu.memory_space<vmem>>, vector<16xi32>,
    tpu.vector_store %arg5[%swap3A_77], %convert_element_type3A_76 {strides = array<i32>} : memref<256xi32, #tpu.memory_space<vmem>>, vector<16xi32>,
    %get3A_79 = arith.constant 160 : index
    %get3A_80 = tpu.vector_load %arg4[%get3A_79] {strides = array<i32>} : memref<256xf32, #tpu.memory_space<vmem>>, vector<16xf32>,
    %ne3A_81 = arith.constant 0.000000e+00 : f32
    %ne3A_82 = vector.broadcast %ne3A_81 : f32 to vector<16xf32>
    %ne3A_83 = arith.cmpf one, %get3A_80, %ne3A_82 : vector<16xf32>
    %convert_element_type3A_84 = arith.extui %ne3A_83 : vector<16xi1> to vector<16xi32>
    %swap3A_85 = arith.constant 160 : index
    %swap3A_86 = tpu.vector_load %arg5[%swap3A_85] {strides = array<i32>} : memref<256xi32, #tpu.memory_space<vmem>>, vector<16xi32>,
    tpu.vector_store %arg5[%swap3A_85], %convert_element_type3A_84 {strides = array<i32>} : memref<256xi32, #tpu.memory_space<vmem>>, vector<16xi32>,
    %get3A_87 = arith.constant 176 : index
    %get3A_88 = tpu.vector_load %arg4[%get3A_87] {strides = array<i32>} : memref<256xf32, #tpu.memory_space<vmem>>, vector<16xf32>,
    %ne3A_89 = arith.constant 0.000000e+00 : f32
    %ne3A_90 = vector.broadcast %ne3A_89 : f32 to vector<16xf32>
    %ne3A_91 = arith.cmpf one, %get3A_88, %ne3A_90 : vector<16xf32>
    %convert_element_type3A_92 = arith.extui %ne3A_91 : vector<16xi1> to vector<16xi32>
    %swap3A_93 = arith.constant 176 : index
    %swap3A_94 = tpu.vector_load %arg5[%swap3A_93] {strides = array<i32>} : memref<256xi32, #tpu.memory_space<vmem>>, vector<16xi32>,
    tpu.vector_store %arg5[%swap3A_93], %convert_element_type3A_92 {strides = array<i32>} : memref<256xi32, #tpu.memory_space<vmem>>, vector<16xi32>,
    %get3A_95 = arith.constant 192 : index
    %get3A_96 = tpu.vector_load %arg4[%get3A_95] {strides = array<i32>} : memref<256xf32, #tpu.memory_space<vmem>>, vector<16xf32>,
    %ne3A_97 = arith.constant 0.000000e+00 : f32
    %ne3A_98 = vector.broadcast %ne3A_97 : f32 to vector<16xf32>
    %ne3A_99 = arith.cmpf one, %get3A_96, %ne3A_98 : vector<16xf32>
    %convert_element_type3A_100 = arith.extui %ne3A_99 : vector<16xi1> to vector<16xi32>
    %swap3A_101 = arith.constant 192 : index
    %swap3A_102 = tpu.vector_load %arg5[%swap3A_101] {strides = array<i32>} : memref<256xi32, #tpu.memory_space<vmem>>, vector<16xi32>,
    tpu.vector_store %arg5[%swap3A_101], %convert_element_type3A_100 {strides = array<i32>} : memref<256xi32, #tpu.memory_space<vmem>>, vector<16xi32>,
    %get3A_103 = arith.constant 208 : index
    %get3A_104 = tpu.vector_load %arg4[%get3A_103] {strides = array<i32>} : memref<256xf32, #tpu.memory_space<vmem>>, vector<16xf32>,
    %ne3A_105 = arith.constant 0.000000e+00 : f32
    %ne3A_106 = vector.broadcast %ne3A_105 : f32 to vector<16xf32>
    %ne3A_107 = arith.cmpf one, %get3A_104, %ne3A_106 : vector<16xf32>
    %convert_element_type3A_108 = arith.extui %ne3A_107 : vector<16xi1> to vector<16xi32>
    %swap3A_109 = arith.constant 208 : index
    %swap3A_110 = tpu.vector_load %arg5[%swap3A_109] {strides = array<i32>} : memref<256xi32, #tpu.memory_space<vmem>>, vector<16xi32>,
    tpu.vector_store %arg5[%swap3A_109], %convert_element_type3A_108 {strides = array<i32>} : memref<256xi32, #tpu.memory_space<vmem>>, vector<16xi32>,
    %get3A_111 = arith.constant 224 : index
    %get3A_112 = tpu.vector_load %arg4[%get3A_111] {strides = array<i32>} : memref<256xf32, #tpu.memory_space<vmem>>, vector<16xf32>,
    %ne3A_113 = arith.constant 0.000000e+00 : f32
    %ne3A_114 = vector.broadcast %ne3A_113 : f32 to vector<16xf32>
    %ne3A_115 = arith.cmpf one, %get3A_112, %ne3A_114 : vector<16xf32>
    %convert_element_type3A_116 = arith.extui %ne3A_115 : vector<16xi1> to vector<16xi32>
    %swap3A_117 = arith.constant 224 : index
    %swap3A_118 = tpu.vector_load %arg5[%swap3A_117] {strides = array<i32>} : memref<256xi32, #tpu.memory_space<vmem>>, vector<16xi32>,
    tpu.vector_store %arg5[%swap3A_117], %convert_element_type3A_116 {strides = array<i32>} : memref<256xi32, #tpu.memory_space<vmem>>, vector<16xi32>,
    %get3A_119 = arith.constant 240 : index
    %get3A_120 = tpu.vector_load %arg4[%get3A_119] {strides = array<i32>} : memref<256xf32, #tpu.memory_space<vmem>>, vector<16xf32>,
    %ne3A_121 = arith.constant 0.000000e+00 : f32
    %ne3A_122 = vector.broadcast %ne3A_121 : f32 to vector<16xf32>
    %ne3A_123 = arith.cmpf one, %get3A_120, %ne3A_122 : vector<16xf32>
    %convert_element_type3A_124 = arith.extui %ne3A_123 : vector<16xi1> to vector<16xi32>
    %swap3A_125 = arith.constant 240 : index
    %swap3A_126 = tpu.vector_load %arg5[%swap3A_125] {strides = array<i32>} : memref<256xi32, #tpu.memory_space<vmem>>, vector<16xi32>,
    tpu.vector_store %arg5[%swap3A_125], %convert_element_type3A_124 {strides = array<i32>} : memref<256xi32, #tpu.memory_space<vmem>>, vector<16xi32>,
    "tpu.region"() ({
      %run_scoped3A = tpu.sem_alloc : memref<!tpu.dma_semaphore, #tpu.memory_space<semaphore_mem>>
      %dma_start3A = tpu.memref_slice %arg3[%mul3A_2] : memref<8192xi32, #tpu.memory_space<hbm>> -> memref<256xi32, #tpu.memory_space<hbm>>
      %dma_start3A_127 = tpu.memref_slice %arg3[%mul3A_2] : memref<8192xi32, #tpu.memory_space<hbm>> -> memref<256xi32, #tpu.memory_space<hbm>>
      tpu.enqueue_dma source(%arg5 : memref<256xi32, #tpu.memory_space<vmem>>) target(%dma_start3A_127 : memref<256xi32, #tpu.memory_space<hbm>>) target_semaphore(%run_scoped3A : memref<!tpu.dma_semaphore, #tpu.memory_space<semaphore_mem>>)
      %dma_wait3A = tpu.memref_slice %arg3[%mul3A_2] : memref<8192xi32, #tpu.memory_space<hbm>> -> memref<256xi32, #tpu.memory_space<hbm>>
      %dma_wait3A_128 = tpu.memref_slice %arg3[%mul3A_2] : memref<8192xi32, #tpu.memory_space<hbm>> -> memref<256xi32, #tpu.memory_space<hbm>>
      tpu.wait_dma2 semaphore(%run_scoped3A : memref<!tpu.dma_semaphore, #tpu.memory_space<semaphore_mem>>) src(%arg5 : memref<256xi32, #tpu.memory_space<vmem>>) dst(%dma_wait3A_128 : memref<256xi32, #tpu.memory_space<hbm>>)
      tpu.yield
    }) : () -> ()
    return
  }
}

module attributes {stable_mosaic.version = 14 : i64} {
  func.func @body(%arg0: i32, %arg1: memref<8x512x512xf32, #tpu.memory_space<vmem>>, %arg2: memref<1x128x512xf32, #tpu.memory_space<vmem>>, %arg3: memref<1x4x512xf32, #tpu.memory_space<vmem>>, %arg4: memref<8x512x512xf32, #tpu.memory_space<vmem>>, %arg5: memref<1x128x512xf32, #tpu.memory_space<vmem>>, %arg6: memref<1x4x512xf32, #tpu.memory_space<vmem>>) attributes {dimension_semantics = [#tpu.dimension_semantics<parallel>], iteration_bounds = array<i64: 16>, scalar_prefetch = 0 : i64, scratch_operands = 0 : i64, tpu.core_type = #tpu.core_type<tc>, window_params = [{transform_indices = @transform_0, window_bounds = array<i64: 8, 512, 512>}, {transform_indices = @transform_1, window_bounds = array<i64: 1, 128, 512>}, {transform_indices = @transform_2, window_bounds = array<i64: 1, 4, 512>}, {transform_indices = @transform_3, window_bounds = array<i64: 8, 512, 512>}, {transform_indices = @transform_4, window_bounds = array<i64: 1, 128, 512>}, {transform_indices = @transform_5, window_bounds = array<i64: 1, 4, 512>}]} {
    %get3A = arith.constant 0 : index
    %get3A_0 = arith.constant 0 : index
    %get3A_1 = arith.constant 0 : index
    %get3A_2 = vector.load %arg1[%get3A, %get3A_0, %get3A_1] : memref<8x512x512xf32, #tpu.memory_space<vmem>>, vector<8x512x512xf32>
    %swap3A = arith.constant 0 : index
    %swap3A_3 = arith.constant 0 : index
    %swap3A_4 = arith.constant 0 : index
    %swap3A_5 = vector.load %arg4[%swap3A, %swap3A_3, %swap3A_4] : memref<8x512x512xf32, #tpu.memory_space<vmem>>, vector<8x512x512xf32>
    tpu.vector_store %arg4[%swap3A, %swap3A_3, %swap3A_4], %get3A_2 {strides = array<i32>} : memref<8x512x512xf32, #tpu.memory_space<vmem>>, vector<8x512x512xf32>,
    %get3A_6 = arith.constant 0 : index
    %get3A_7 = arith.constant 0 : index
    %get3A_8 = arith.constant 0 : index
    %get3A_9 = vector.load %arg2[%get3A_6, %get3A_7, %get3A_8] : memref<1x128x512xf32, #tpu.memory_space<vmem>>, vector<1x128x512xf32>
    %swap3A_10 = arith.constant 0 : index
    %swap3A_11 = arith.constant 0 : index
    %swap3A_12 = arith.constant 0 : index
    %swap3A_13 = vector.load %arg5[%swap3A_10, %swap3A_11, %swap3A_12] : memref<1x128x512xf32, #tpu.memory_space<vmem>>, vector<1x128x512xf32>
    tpu.vector_store %arg5[%swap3A_10, %swap3A_11, %swap3A_12], %get3A_9 {strides = array<i32>} : memref<1x128x512xf32, #tpu.memory_space<vmem>>, vector<1x128x512xf32>,
    %get3A_14 = arith.constant 0 : index
    %get3A_15 = arith.constant 0 : index
    %get3A_16 = arith.constant 0 : index
    %get3A_17 = vector.load %arg3[%get3A_14, %get3A_15, %get3A_16] : memref<1x4x512xf32, #tpu.memory_space<vmem>>, vector<1x4x512xf32>
    %swap3A_18 = arith.constant 0 : index
    %swap3A_19 = arith.constant 0 : index
    %swap3A_20 = arith.constant 0 : index
    %swap3A_21 = vector.load %arg6[%swap3A_18, %swap3A_19, %swap3A_20] : memref<1x4x512xf32, #tpu.memory_space<vmem>>, vector<1x4x512xf32>
    tpu.vector_store %arg6[%swap3A_18, %swap3A_19, %swap3A_20], %get3A_17 {strides = array<i32>} : memref<1x4x512xf32, #tpu.memory_space<vmem>>, vector<1x4x512xf32>,
    return
  }
  func.func @transform_0(%arg0: i32) -> (i32, i32, i32) {
    %c0_i32 = arith.constant 0 : i32
    %c0_i32_0 = arith.constant 0 : i32
    %c0_i32_1 = arith.constant 0 : i32
    return %arg0, %c0_i32, %c0_i32_0 : i32, i32, i32
  }
  func.func @transform_1(%arg0: i32) -> (i32, i32, i32) {
    %c0_i32 = arith.constant 0 : i32
    %c0_i32_0 = arith.constant 0 : i32
    %c0_i32_1 = arith.constant 0 : i32
    return %arg0, %c0_i32, %c0_i32_0 : i32, i32, i32
  }
  func.func @transform_2(%arg0: i32) -> (i32, i32, i32) {
    %c0_i32 = arith.constant 0 : i32
    %c0_i32_0 = arith.constant 0 : i32
    %c0_i32_1 = arith.constant 0 : i32
    return %arg0, %c0_i32, %c0_i32_0 : i32, i32, i32
  }
  func.func @transform_3(%arg0: i32) -> (i32, i32, i32) {
    %c0_i32 = arith.constant 0 : i32
    %c0_i32_0 = arith.constant 0 : i32
    %c0_i32_1 = arith.constant 0 : i32
    return %arg0, %c0_i32, %c0_i32_0 : i32, i32, i32
  }
  func.func @transform_4(%arg0: i32) -> (i32, i32, i32) {
    %c0_i32 = arith.constant 0 : i32
    %c0_i32_0 = arith.constant 0 : i32
    %c0_i32_1 = arith.constant 0 : i32
    return %arg0, %c0_i32, %c0_i32_0 : i32, i32, i32
  }
  func.func @transform_5(%arg0: i32) -> (i32, i32, i32) {
    %c0_i32 = arith.constant 0 : i32
    %c0_i32_0 = arith.constant 0 : i32
    %c0_i32_1 = arith.constant 0 : i32
    return %arg0, %c0_i32, %c0_i32_0 : i32, i32, i32
  }
}

</mosaic_0001>

<sc_bundles>
// kernel: kernel.4.cloned.1.call-start
scs
__scs_entry_jumppad:
0x0: {  	(pc) =	sbr.rel $0x88, $3  }
0x1: {  	(tag) =	ssettag $0x0;
	lr =	simm.s32 $0x1  }
0x2: {  	[smem:$0x3F9D] =	sst lr;
	_ =	strace $0xD0000000  }
0x3: {  	_ = 	snop  }
0x4: {  	_ = 	snop  }
0x5: {  	_ = 	snop  }
0x6: {  	_ = 	snop  }
0x7: {  	_ = 	snop  }
__scs_overlays_trampoline_lowered:
0x8: {  	[smem:$0x3FAC] =	sst s0  }
0x9: {  	[smem:$0x3FAD] =	sst s1  }
0xa: {  	[smem:$0x3FAE] =	sst s2  }
0xb: {  	[smem:$0x3FAF] =	sst s3  }
0xc: {  	[smem:$0x3FB0] =	sst s4  }
0xd: {  	[smem:$0x3FB1] =	sst s5  }
0xe: {  	[smem:$0x3FB2] =	sst s6  }
0xf: {  	[smem:$0x3FB3] =	sst s7  }
0x10: {  	[smem:$0x3FB4] =	sst s8  }
0x11: {  	[smem:$0x3FB5] =	sst s9;
	s0 =	simm.s32 @!p0 $0x0  }
0x12: {  	s1 =	sld [smem:$0x3F9B];
	s0 =	simm.s32 @p0 $0x1  }
0x13: {  	[smem:$0x3FB6] =	sst s0;
	s0 =	simm.s32 @!p1 $0x0  }
0x14: {  	s2 =	sld [smem:$0x3F9A];
	s0 =	simm.s32 @p1 $0x1  }
0x15: {  	[smem:$0x3FB7] =	sst s0;
	s0 =	simm.s32 @!p2 $0x0  }
0x16: {  	s3 =	sld [smem:$0x3FDB];
	s0 =	simm.s32 @p2 $0x1  }
0x17: {  	s4 =	simm.s32 $0x1BF5;
	[smem:$0x3FB9] =	sst s0  }
0x18: {  	s0 =	sld [smem:$0x3F9C];
	_ =	swait.ge [sflag:s4], $0x0  }
0x19: {  	s7 =	sld [smem:$0x3F9D]  }
0x1a: {  	s8 =	sadd.s32 $0xFFFFE003, lr  }
0x1b: {  	s9 =	sadd.s32 $0xFFFFFEF7, lr;
	s5 =	simm.s32 $0xFFFFFFFF;
	p2 =	slt.u32 s8, $0xFFFFF086  }
0x1c: {  	p1 =	slt.u32 s9, $0xF7A;
	s5 =	simm.s32 @!p2 $0x0  }
0x1d: {  	s5 =	simm.s32 @p1 $0x1;
	p0 =	seq.s32 s7, s2  }
0x1e: {  	s7 =	smul.u32 @!p0 $0xF7A, s2;
	p2 =	seq.s32 @!p0 s5, $0x0  }
0x1f: {  	s9 =	smul.u32 $0xF7A, s1;
	s8 =	simm.s32 @!p0 $0x1BF5;
	p2 =	por !p2, p0  }
0x20: {  	[sflag:s8] =	ssyncset.s32 @!p0 $0xFFFFF086;
	s6 =	sadd.s32 @!p0 s3, s7;
	s7 =	simm.s32 @!p0 $0x108  }
0x21: {  	s3 =	sadd.s32 s3, s9;
	s6 =	sadd.s32 @!p0 $0x88, s6;
	s7 =	simm.s32 @p2 $0x1082  }
0x22: {  	[simem:s7], [sflag:s8] =	dma.local @!p0 [hbm:s6], $0xF7A  }
0x23: {  	s9 =	sor.u32 $0xD0000000, s2;
	s6 =	simm.s32 $0x108;
	_ =	swait.ge @!p0 [sflag:s8], $0x0  }
0x24: {  	s3 =	sadd.s32 $0x88, s3;
	s6 =	simm.s32 @!p1 $0x1082;
	[sflag:s4] =	ssyncset.s32 $0xFFFFF086  }
0x25: {  	[simem:s6], [sflag:s4] =	dma.local [hbm:s3], $0xF7A  }
0x26: {  	[smem:$0x3F9D] =	sst s1;
	(tag) =	ssettag s2;
	_ =	strace s9  }
0x27: {  	s1 =	sld [smem:$0x3FAD]  }
0x28: {  	s2 =	sld [smem:$0x3FAE]  }
0x29: {  	s4 =	sld [smem:$0x3FB0]  }
0x2a: {  	p0 =	seq.s32 s5, $0x0;
	s5 =	sld [smem:$0x3FB1]  }
0x2b: {  	s6 =	sld [smem:$0x3FB2]  }
0x2c: {  	s7 =	sld [smem:$0x3FB3]  }
0x2d: {  	s3 =	simm.s32 $0x108;
	s8 =	sld [smem:$0x3FB4]  }
0x2e: {  	s3 =	simm.s32 @!p0 $0x1082;
	s9 =	sld [smem:$0x3FB5]  }
0x2f: {  	lr =	sadd.s32 s0, s3;
	s0 =	sld [smem:$0x3FAC]  }
0x30: {  	s3 =	sld [smem:$0x3FAF]  }
0x31: {  	[smem:$0x3FB8] =	sst s10  }
0x32: {  	s10 =	sld [smem:$0x3FB6];
	_ =	sdelay $0x3  }
0x33: {  	p0 =	seq.s32 s10, $0x1;
	s10 =	sld [smem:$0x3FB8];
	_ =	sdelay $0x3  }
0x34: {  	[smem:$0x3FB8] =	sst s10  }
0x35: {  	s10 =	sld [smem:$0x3FB7];
	_ =	sdelay $0x3  }
0x36: {  	p1 =	seq.s32 s10, $0x1;
	s10 =	sld [smem:$0x3FB8];
	_ =	sdelay $0x3  }
0x37: {  	[smem:$0x3FB8] =	sst s10  }
0x38: {  	s10 =	sld [smem:$0x3FB9]  }
0x39: {  	_ = 	snop;
	(pc) =	sbr.ind lr, $3  }
0x3a: {  	_ = 	snop  }
0x3b: {  	_ = 	snop  }
0x3c: {  	p2 =	seq.s32 s10, $0x1;
	s10 =	sld [smem:$0x3FB8]  }
0x3d: {  	_ =	shalt  }
0x3e: {  	_ =	shalt  }
0x3f: {  	_ =	shalt  }
0x40: {  	_ =	shalt  }
0x41: {  	_ =	shalt  }
0x42: {  	_ =	shalt  }
0x43: {  	_ =	shalt  }
0x44: {  	_ =	shalt  }
0x45: {  	_ =	shalt  }
0x46: {  	_ =	shalt  }
0x47: {  	_ =	shalt  }
0x48: {  	_ =	shalt  }
0x49: {  	_ =	shalt  }
0x4a: {  	_ =	shalt  }
0x4b: {  	_ =	shalt  }
0x4c: {  	_ =	shalt  }
0x4d: {  	_ =	shalt  }
0x4e: {  	_ =	shalt  }
0x4f: {  	_ =	shalt  }
0x50: {  	_ =	shalt  }
0x51: {  	_ =	shalt  }
0x52: {  	_ =	shalt  }
0x53: {  	_ =	shalt  }
0x54: {  	_ =	shalt  }
0x55: {  	_ =	shalt  }
0x56: {  	_ =	shalt  }
0x57: {  	_ =	shalt  }
0x58: {  	_ =	shalt  }
0x59: {  	_ =	shalt  }
0x5a: {  	_ =	shalt  }
0x5b: {  	_ =	shalt  }
0x5c: {  	_ =	shalt  }
0x5d: {  	_ =	shalt  }
0x5e: {  	_ =	shalt  }
0x5f: {  	_ =	shalt  }
0x60: {  	_ =	shalt  }
0x61: {  	_ =	shalt  }
0x62: {  	_ =	shalt  }
0x63: {  	_ =	shalt  }
0x64: {  	_ =	shalt  }
0x65: {  	_ =	shalt  }
0x66: {  	_ =	shalt  }
0x67: {  	_ =	shalt  }
0x68: {  	_ =	shalt  }
0x69: {  	_ =	shalt  }
0x6a: {  	_ =	shalt  }
0x6b: {  	_ =	shalt  }
0x6c: {  	_ =	shalt  }
0x6d: {  	_ =	shalt  }
0x6e: {  	_ =	shalt  }
0x6f: {  	_ =	shalt  }
0x70: {  	_ =	shalt  }
0x71: {  	_ =	shalt  }
0x72: {  	_ =	shalt  }
0x73: {  	_ =	shalt  }
0x74: {  	_ =	shalt  }
0x75: {  	_ =	shalt  }
0x76: {  	_ =	shalt  }
0x77: {  	_ =	shalt  }
0x78: {  	_ =	shalt  }
0x79: {  	_ =	shalt  }
0x7a: {  	_ =	shalt  }
0x7b: {  	_ =	shalt  }
0x7c: {  	_ =	shalt  }
0x7d: {  	_ =	shalt  }
0x7e: {  	_ =	shalt  }
0x7f: {  	_ =	shalt  }
0x80: {  	_ =	shalt  }
0x81: {  	_ =	shalt  }
0x82: {  	_ =	shalt  }
0x83: {  	_ =	shalt  }
0x84: {  	_ =	shalt  }
0x85: {  	_ =	shalt  }
0x86: {  	_ =	shalt  }
0x87: {  	_ =	shalt  }
.Lfunc_end0:
.L_simem_size_0:
called_computation_lowered:
.L_overlay_start_0:
0x88: {  	s2 =	sld [smem:$0x3FD9]  }
0x89: {  	s3 =	sld [smem:$0x3FFE];
	_ =	sdelay $0x1  }
0x8a: {  	s1 =	srdreg.scid  }
0x8b: {  	s0 =	sand.u32 $0x1, s1  }
0x8c: {  	s17 =	sshll.u32 s0, $0xA;
	s2 =	sadd.s32 s3, s2  }
0x8d: {  	s2 =	sadd.s32 s2, s17  }
0x8e: {  	[smem:$0x3FC4] =	sst s2  }
0x8f: {  	_ = 	snop  }
0x90: {  	s2 =	sld [smem:$0x3FC7];
	(tm) =	ssettm $0x1  }
0x91: {  	s18 =	sld [smem:$0x3FFB];
	_ =	sdelay $0x3  }
0x92: {  	_ =	strace s18  }
0x93: {  	s3 =	sld [smem:$0x3FFC];
	_ =	sdelay $0x3  }
0x94: {  	_ =	strace s3  }
0x95: {  	s3 =	sld [smem:$0x3FFD];
	_ =	sdelay $0x3  }
0x96: {  	_ =	strace s3  }
0x97: {  	_ =	strace $0x8FFFFFFF  }
0x98: {  	s19 =	sld [smem:$0x3FDB];
	_ =	sdelay $0x1  }
0x99: {  	s4 =	simm.s32 $_scs_section_size  }
0x9a: {  	s5 =	simm.s32 $_size__tile_overlayer_lowered;
	s6 =	simm.s32 $_tile_overlayer_lowered  }
0x9b: {  	s22 =	simm.s32 $0x1BFF;
	s21 =	sshll.u32 s6, $0x1;
	s3 =	sadd.s32 s4, s19  }
0x9c: {  	s7 =	simm.s32 $0x0;
	s20 =	sshll.u32 s5, $0x1;
	s5 =	sadd.s32 s21, s3  }
0x9d: {  	[timem:s7], [sflag:s22] =	dma.local [hbm:s5], s20  }
0x9e: {  	_ =	swait.ge [sflag:s22], s20  }
0x9f: {  	s4 =	ssub.s32 $0x0, s20;
	[sflag:s22] =	ssyncset.done $0x0  }
0xa0: {  	[sflag:s22] =	ssyncadd.s32 s4;
	_ =	sdelay $0x1  }
0xa1: {  	s23 =	simm.s32 $0x1B8B  }
0xa2: {  	_ =	swait.ge [sflag:s23], $0x1  }
0xa3: {  	[sflag:s23] =	ssyncset.done $0x0  }
0xa4: {  	s25 =	simm.s32 $0x1B8E;
	s24 =	sld [smem:$0x3FFE];
	[sflag:s23] =	ssyncadd.s32 $0xFFFFFFFF  }
0xa5: {  	s26 =	simm.s32 $execute0_lowered;
	[smem:$0x3FD2] =	sst s25  }
0xa6: {  	s5 =	sshll.u32 s26, $0x1;
	_ =	strace $0x80000046;
	[dreg:$0x1] =	wrdreg $0xFFFFFFFF  }
0xa7: {  	s28 =	simm.s32 $_size_execute0_lowered;
	s3 =	sadd.s32 s3, s5;
	[dreg:$0x0] =	wrdreg $0x0  }
0xa8: {  	s5 =	sshll.u32 s28, $0x1;
	[dreg:$0x2] =	wrdreg s3  }
0xa9: {  	[dreg:$0x3] =	wrdreg s5  }
0xaa: {  	[dreg:$0x4] =	wrdreg $0xC0  }
0xab: {  	_ =	task [dreg:s7], $0x5FFFF  }
0xac: {  	[dreg:$0x1] =	wrdreg $0xFFFFFFFF  }
0xad: {  	[dreg:$0x0] =	wrdreg $0x60  }
0xae: {  	[dreg:$0x2] =	wrdreg s2  }
0xaf: {  	[dreg:$0x3] =	wrdreg s24  }
0xb0: {  	[dreg:$0x4] =	wrdreg $0x9  }
0xb1: {  	_ =	task.clear_ibuf [dreg:s7], $0x5FFFF;
	_ =	strace $0x90000046  }
0xb2: {  	s29 =	simm.s32 $0x9;
	_ =	strace $0x80000048  }
0xb3: {  	_ =	swait.ge [sflag:s29], $0x1  }
0xb4: {  	[sflag:s29] =	ssyncadd.s32 $0xFFFFFFFF  }
0xb5: {  	_ =	strace $0x90000048  }
0xb6: {  	_ =	sfence  }
0xb7: {  	s30 =	sld [smem:$0x0];
	_ =	sdelay $0x2  }
0xb8: {  	s31 =	sshll.u32 s1, $0xD;
	s1 =	sshrl.u32 s1, $0x2  }
0xb9: {  	s3 =	sand.u32 $0x4000, s31;
	s1 =	sadd.s32 s1, s30  }
0xba: {  	s0 =	sor.u32 s3, s0;
	s1 =	sshll.u32 s1, $0x11  }
0xbb: {  	s0 =	sor.u32 s1, s0  }
0xbc: {  	s0 =	sadd.s32 $0x8F2B, s0  }
0xbd: {  	[sflag:s0] =	ssyncadd.remote.s32 $0x1  }
0xbe: {  	_ =	sfence.sel $0xFFFF  }
0xbf: {  	[dreg:$0x0] =	wrdreg $0xFFFFFFFF;
	(pc) =	sbr.abs _section_cstart, $3  }
0xc0: {  	[dreg:$0x1] =	wrdreg $0xFFFFFFFF  }
0xc1: {  	_ =	task.clear_ibuf [dreg:s7], $0x2FFFF;
	_ =	strace $0x9FFFFFFF  }
0xc2: {  	(tm) =	ssettm $0x7FFFFFFF  }
0xc3: {  	_ =	shalt  }
tec
execute0_lowered:
.L_overlay_start_1:
0x0: {  	(tag) =	ssettag $0x1  }
0x1: {  	s5 =	srdreg.scid  }
0x2: {  	s5 =	sand.u32 $0x1, s5  }
0x3: {  	s7 =	sshll.u32 s5, $0x5;
	s5 =	ssub.s32 $0x2, s5  }
0x4: {  	s1 =	stileid.u32;
	s31 =	sshrl.u32 s5, $0x1  }
0x5: {  	s6 =	sshll.u32 s1, $0x6;
	s5 =	ssub.s32 s5, s31  }
0x6: {  	s3 =	rddreg [dreg:$0x0];
	s6 =	sor.u32 s7, s6;
	s7 =	smax.u32 s5, $0x1  }
0x7: {  	s4 =	rddreg [dreg:$0x1];
	p2 =	sne.s32 s7, $0x1  }
.Ltmp0:
0x8: {  	s0 =	rddreg [dreg:$0x2];
	s2 =	simm.s32 $0x0;
	(pc) =	sbr.rel @!p2 .LBB2_1-.Ltmp0, $4  }
0x9: {  	[smem:$0x7FF] =	sst s2  }
0xa: {  	p0 =	por $0x0, $0x0;
	p1 =	por $0x0, $0x0;
	_ =	strace $0x80000047  }
0xb: {  	s4 =	sadd.s32 s6, s4;
	s6 =	sadd.s32 s3, s6;
	s3 =	simm.s32 $0x1  }
0xc: {  	v0 =	vimm.s32 $0x0;
	s4 =	sadd.s32 $0x600, s4;
	s5 =	simm.s32 $0x100;
	s7 =	sadd.s32 $0xFFFFFFFF, s7  }
0xd: {  	p2 =	sne.s32 s7, $0x1  }
.Ltmp1:
0xe: {  	_ = 	snop;
	(pc) =	sbr.rel @!p2 .LBB2_3-.Ltmp1, $2  }
0xf: {  	_ =	sdelay $0x2  }
0x10: {  	s7 =	sadd.s32 $0xFFFFFFFF, s7;
	p0 =	por $0x1, $0x1  }
0x11: {  	[tilespmem:s2], [sflag:$0x1] =	stream.linear.gather [hbm4b:s6+s2], $0x100, $0x38;
	[tilespmem:$0x200] =	vst v63  }
0x12: {  	_ =	swait.ge [sflag:s3], $0x100  }
0x13: {  	[sflag:s3] =	ssyncset.done $0x0  }
0x14: {  	[sflag:s3] =	ssyncadd.s32 $0xFFFFFF00  }
0x15: {  	v3 =	vld [tilespmem:$0x70]  }
0x16: {  	v1 =	vld [tilespmem:$0x20]  }
0x17: {  	v2 =	vld [tilespmem:$0xD0]  }
0x18: {  	v4 =	vld [tilespmem:$0xB0]  }
0x19: {  	v6 =	vld [tilespmem:$0xE0]  }
0x1a: {  	v8 =	vld [tilespmem:$0x50]  }
0x1b: {  	v9 =	vld [tilespmem:$0x40]  }
0x1c: {  	v10 =	vld [tilespmem:$0x10]  }
0x1d: {  	v11 =	vld [tilespmem:$0x80];
	vm14 =	vgt.f32 v2, $0.0e+00  }
0x1e: {  	vm0 =	vgt.f32 v1, $0.0e+00;
	vm3 =	vlt.f32 v4, $0.0e+00;
	vm4 =	vgt.f32 v4, $0.0e+00  }
0x1f: {  	v5 =	vld [tilespmem:$0x0];
	vm1 =	vgt.f32 v3, $0.0e+00;
	vm15 =	vlt.f32 v2, $0.0e+00;
	vm6 =	vlt.f32 v6, $0.0e+00  }
0x20: {  	p2 =	sne.s32 s7, $0x1;
	v7 =	vld [tilespmem:$0x90];
	vm2 =	vgt.f32 v8, $0.0e+00;
	vm5 =	vlt.f32 v1, $0.0e+00;
	vm7 =	vlt.f32 v9, $0.0e+00  }
.Ltmp2:
0x21: {  	v1 =	vld [tilespmem:$0x30];
	vm9 =	vlt.f32 v3, $0.0e+00;
	vm10 =	vlt.f32 v8, $0.0e+00;
	vm12 =	vlt.f32 v10, $0.0e+00;
	(pc) =	sbr.rel @!p2 .LBB2_6-.Ltmp2, $4  }
0x22: {  	v2 =	vld [tilespmem:$0x60];
	vm13 =	vlt.f32 v11, $0.0e+00;
	vm11 =	vmor vm4, vm3;
	vm4 =	vgt.f32 v6, $0.0e+00  }
0x23: {  	v3 =	vld [tilespmem:$0xF0];
	vm3 =	vgt.f32 v9, $0.0e+00;
	vm8 =	vmor vm4, vm6;
	v8 =	vsel vm11, $0x1, v0  }
0x24: {  	v4 =	vld [tilespmem:$0xA0];
	vm14 =	vmor vm14, vm15;
	vm4 =	vgt.f32 v10, $0.0e+00;
	v6 =	vsel vm8, $0x1, v0;
	[tilespmem:$0x1B0] =	vst v8  }
0x25: {  	s7 =	sadd.s32 $0xFFFFFFFF, s7;
	p1 =	por $0x1, $0x1;
	vm6 =	vgt.f32 v11, $0.0e+00;
	vm11 =	vgt.f32 v7, $0.0e+00;
	vm8 =	vgt.f32 v5, $0.0e+00;
	[tilespmem:$0x1E0] =	vst v6;
	v6 =	vld [tilespmem:$0xC0]  }
.LBB2_5:
0x26: {  	p2 =	sne.s32 s7, $0x1;
	s7 =	sadd.s32 $0xFFFFFFFF, s7;
	vm0 =	vmor vm0, vm5;
	vm5 =	vgt.f32 v1, $0.0e+00;
	v8 =	vsel vm14, $0x1, v0  }
0x27: {  	vm1 =	vmor vm1, vm9;
	v9 =	vsel vm0, $0x1, v0;
	vm0 =	vgt.f32 v2, $0.0e+00;
	[tilespmem:$0x1D0] =	vst v8  }
0x28: {  	vm2 =	vmor vm2, vm10;
	v8 =	vsel vm1, $0x1, v0;
	[tilespmem:$0x120] =	vst v9;
	vm1 =	vgt.f32 v3, $0.0e+00  }
0x29: {  	vm3 =	vmor vm3, vm7;
	v9 =	vsel vm2, $0x1, v0;
	[tilespmem:$0x170] =	vst v8;
	vm2 =	vgt.f32 v4, $0.0e+00  }
0x2a: {  	vm4 =	vmor vm4, vm12;
	v8 =	vsel vm3, $0x1, v0;
	[tilespmem:$0x150] =	vst v9;
	vm3 =	vgt.f32 v6, $0.0e+00  }
0x2b: {  	vm7 =	vlt.f32 v5, $0.0e+00;
	v5 =	vsel vm4, $0x1, v0;
	vm4 =	vmor vm6, vm13;
	[tilespmem:$0x140] =	vst v8  }
0x2c: {  	vm6 =	vmor vm8, vm7;
	[tilespmem:$0x110] =	vst v5;
	v5 =	vsel vm4, $0x1, v0;
	vm4 =	vlt.f32 v7, $0.0e+00  }
0x2d: {  	v7 =	vsel vm6, $0x1, v0;
	vm6 =	vlt.f32 v1, $0.0e+00;
	[tilespmem:$0x180] =	vst v5;
	vm4 =	vmor vm11, vm4  }
0x2e: {  	vm5 =	vmor vm5, vm6;
	vm6 =	vlt.f32 v2, $0.0e+00;
	[tilespmem:$0x100] =	vst v7;
	v1 =	vsel vm4, $0x1, v0  }
0x2f: {  	v2 =	vsel vm5, $0x1, v0;
	vm0 =	vmor vm0, vm6;
	vm4 =	vlt.f32 v3, $0.0e+00;
	[tilespmem:$0x190] =	vst v1  }
0x30: {  	v1 =	vsel vm0, $0x1, v0;
	vm0 =	vlt.f32 v4, $0.0e+00;
	vm1 =	vmor vm1, vm4;
	[tilespmem:$0x130] =	vst v2  }
0x31: {  	vm0 =	vmor vm2, vm0;
	vm2 =	vlt.f32 v6, $0.0e+00;
	[tilespmem:$0x160] =	vst v1;
	v1 =	vsel vm1, $0x1, v0  }
0x32: {  	v2 =	vsel vm0, $0x1, v0;
	vm0 =	vmor vm3, vm2;
	[tilespmem:$0x1F0] =	vst v1  }
0x33: {  	v1 =	vsel vm0, $0x1, v0;
	[tilespmem:$0x1A0] =	vst v2  }
0x34: {  	[tilespmem:$0x1C0] =	vst v1  }
0x35: {  	[hbm4b:s4+s2] =	stream.linear.scatter [tilespmem:s5], [sflag:$0x1], $0x100, $0x38;
	[tilespmem:$0x200] =	vst v63  }
0x36: {  	_ =	swait.ge [sflag:s3], $0x100  }
0x37: {  	[sflag:s3] =	ssyncset.done $0x0  }
0x38: {  	[sflag:s3] =	ssyncadd.s32 $0xFFFFFF00  }
0x39: {  	[tilespmem:s2], [sflag:$0x1] =	stream.linear.gather [hbm4b:s6+s2], $0x100, $0x38;
	[tilespmem:$0x200] =	vst v63  }
0x3a: {  	_ =	swait.ge [sflag:s3], $0x100  }
0x3b: {  	[sflag:s3] =	ssyncset.done $0x0  }
0x3c: {  	[sflag:s3] =	ssyncadd.s32 $0xFFFFFF00  }
0x3d: {  	v3 =	vld [tilespmem:$0x70]  }
0x3e: {  	v1 =	vld [tilespmem:$0x20]  }
0x3f: {  	v2 =	vld [tilespmem:$0xD0]  }
0x40: {  	v4 =	vld [tilespmem:$0xB0]  }
0x41: {  	v6 =	vld [tilespmem:$0xE0]  }
0x42: {  	v8 =	vld [tilespmem:$0x50]  }
0x43: {  	v9 =	vld [tilespmem:$0x40]  }
0x44: {  	v10 =	vld [tilespmem:$0x10];
	vm14 =	vgt.f32 v2, $0.0e+00  }
0x45: {  	vm0 =	vgt.f32 v1, $0.0e+00;
	v11 =	vld [tilespmem:$0x80];
	vm3 =	vlt.f32 v4, $0.0e+00;
	vm4 =	vgt.f32 v4, $0.0e+00  }
0x46: {  	vm1 =	vgt.f32 v3, $0.0e+00;
	vm15 =	vlt.f32 v2, $0.0e+00;
	v5 =	vld [tilespmem:$0x0];
	vm6 =	vlt.f32 v6, $0.0e+00  }
0x47: {  	vm11 =	vmor vm4, vm3;
	vm4 =	vgt.f32 v6, $0.0e+00;
	vm2 =	vgt.f32 v8, $0.0e+00;
	v7 =	vld [tilespmem:$0x90]  }
.Ltmp3:
0x48: {  	vm5 =	vlt.f32 v1, $0.0e+00;
	vm8 =	vmor vm4, vm6;
	v1 =	vld [tilespmem:$0x30];
	vm3 =	vgt.f32 v9, $0.0e+00;
	(pc) =	sbr.rel @p2 .LBB2_5-.Ltmp3, $4  }
0x49: {  	vm9 =	vlt.f32 v3, $0.0e+00;
	vm7 =	vlt.f32 v9, $0.0e+00;
	vm4 =	vgt.f32 v10, $0.0e+00;
	v2 =	vld [tilespmem:$0x60]  }
0x4a: {  	vm10 =	vlt.f32 v8, $0.0e+00;
	v6 =	vsel vm8, $0x1, v0;
	vm6 =	vgt.f32 v11, $0.0e+00;
	v3 =	vld [tilespmem:$0xF0]  }
0x4b: {  	v8 =	vsel vm11, $0x1, v0;
	vm12 =	vlt.f32 v10, $0.0e+00;
	vm8 =	vgt.f32 v5, $0.0e+00;
	v4 =	vld [tilespmem:$0xA0];
	[tilespmem:$0x1E0] =	vst v6  }
0x4c: {  	vm14 =	vmor vm14, vm15;
	vm13 =	vlt.f32 v11, $0.0e+00;
	vm11 =	vgt.f32 v7, $0.0e+00;
	[tilespmem:$0x1B0] =	vst v8;
	v6 =	vld [tilespmem:$0xC0]  }
.LBB2_6:
0x4d: {  	vm0 =	vmor @p1 vm0, vm5;
	vm5 =	vgt.f32 @p1 v1, $0.0e+00;
	v8 =	vsel @p1 vm14, $0x1, v0  }
0x4e: {  	vm1 =	vmor @p1 vm1, vm9;
	vm2 =	vmor @p1 vm2, vm10;
	v9 =	vsel @p1 vm0, $0x1, v0;
	[tilespmem:$0x1D0] =	vst @p1 v8  }
0x4f: {  	vm3 =	vmor @p1 vm3, vm7;
	vm4 =	vmor @p1 vm4, vm12;
	v8 =	vsel @p1 vm1, $0x1, v0;
	[tilespmem:$0x120] =	vst @p1 v9  }
0x50: {  	vm7 =	vlt.f32 @p1 v5, $0.0e+00;
	vm0 =	vgt.f32 @p1 v2, $0.0e+00;
	v5 =	vsel @p1 vm4, $0x1, v0;
	[tilespmem:$0x170] =	vst @p1 v8  }
0x51: {  	vm4 =	vmor @p1 vm6, vm13;
	vm6 =	vmor @p1 vm8, vm7;
	v9 =	vsel @p1 vm2, $0x1, v0;
	[tilespmem:$0x110] =	vst @p1 v5  }
0x52: {  	vm1 =	vgt.f32 @p1 v3, $0.0e+00;
	v8 =	vsel @p1 vm3, $0x1, v0;
	v5 =	vsel @p1 vm4, $0x1, v0;
	[tilespmem:$0x150] =	vst @p1 v9  }
0x53: {  	vm4 =	vlt.f32 @p1 v7, $0.0e+00;
	v7 =	vsel @p1 vm6, $0x1, v0;
	vm6 =	vlt.f32 @p1 v1, $0.0e+00;
	[tilespmem:$0x140] =	vst @p1 v8  }
0x54: {  	vm2 =	vgt.f32 @p1 v4, $0.0e+00;
	[tilespmem:$0x180] =	vst @p1 v5;
	vm4 =	vmor @p1 vm11, vm4;
	vm5 =	vmor @p1 vm5, vm6  }
0x55: {  	[tilespmem:$0x100] =	vst @p1 v7;
	vm6 =	vlt.f32 @p1 v2, $0.0e+00;
	vm3 =	vgt.f32 @p1 v6, $0.0e+00;
	v1 =	vsel @p1 vm4, $0x1, v0  }
0x56: {  	v2 =	vsel @p1 vm5, $0x1, v0;
	vm0 =	vmor @p1 vm0, vm6;
	vm4 =	vlt.f32 @p1 v3, $0.0e+00;
	[tilespmem:$0x190] =	vst @p1 v1  }
0x57: {  	[tilespmem:$0x130] =	vst @p1 v2;
	v1 =	vsel @p1 vm0, $0x1, v0;
	vm0 =	vlt.f32 @p1 v4, $0.0e+00;
	vm1 =	vmor @p1 vm1, vm4  }
0x58: {  	[tilespmem:$0x160] =	vst @p1 v1;
	vm0 =	vmor @p1 vm2, vm0;
	vm2 =	vlt.f32 @p1 v6, $0.0e+00;
	v1 =	vsel @p1 vm1, $0x1, v0  }
0x59: {  	v2 =	vsel @p1 vm0, $0x1, v0;
	vm0 =	vmor @p1 vm3, vm2;
	[tilespmem:$0x1F0] =	vst @p1 v1  }
0x5a: {  	[tilespmem:$0x1A0] =	vst @p1 v2;
	v1 =	vsel @p1 vm0, $0x1, v0  }
0x5b: {  	[tilespmem:$0x1C0] =	vst @p1 v1  }
0x5c: {  	[hbm4b:s4+s2] =	stream.linear.scatter @p1 [tilespmem:s5], [sflag:$0x1], $0x100, $0x38;
	[tilespmem:$0x200] =	vst v63  }
0x5d: {  	_ =	swait.ge @p1 [sflag:s3], $0x100  }
0x5e: {  	[sflag:s3] =	ssyncset.done @p1 $0x0  }
0x5f: {  	[sflag:s3] =	ssyncadd.s32 @p1 $0xFFFFFF00  }
0x60: {  	[tilespmem:s2], [sflag:$0x1] =	stream.linear.gather @p0 [hbm4b:s6+s2], $0x100, $0x38;
	[tilespmem:$0x200] =	vst v63  }
0x61: {  	_ =	swait.ge @p0 [sflag:s3], $0x100  }
0x62: {  	[sflag:s3] =	ssyncset.done @p0 $0x0  }
0x63: {  	[sflag:s3] =	ssyncadd.s32 @p0 $0xFFFFFF00  }
0x64: {  	v1 =	vld @p0 [tilespmem:$0x70]  }
0x65: {  	v2 =	vld @p0 [tilespmem:$0x20]  }
0x66: {  	v3 =	vld @p0 [tilespmem:$0xD0]  }
0x67: {  	v4 =	vld @p0 [tilespmem:$0xB0]  }
0x68: {  	v5 =	vld @p0 [tilespmem:$0xE0]  }
0x69: {  	v6 =	vld @p0 [tilespmem:$0x50]  }
0x6a: {  	v7 =	vld @p0 [tilespmem:$0x40]  }
0x6b: {  	v9 =	vld @p0 [tilespmem:$0x80]  }
0x6c: {  	v8 =	vld @p0 [tilespmem:$0x10];
	vm0 =	vgt.f32 @p0 v3, $0.0e+00;
	vm1 =	vgt.f32 @p0 v2, $0.0e+00  }
0x6d: {  	vm2 =	vlt.f32 @p0 v4, $0.0e+00;
	vm3 =	vgt.f32 @p0 v4, $0.0e+00;
	vm4 =	vgt.f32 @p0 v1, $0.0e+00  }
0x6e: {  	vm5 =	vlt.f32 @p0 v3, $0.0e+00;
	vm6 =	vlt.f32 @p0 v5, $0.0e+00;
	vm7 =	vgt.f32 @p0 v6, $0.0e+00  }
0x6f: {  	vm8 =	vlt.f32 @p0 v2, $0.0e+00;
	vm9 =	vgt.f32 @p0 v7, $0.0e+00;
	vm10 =	vlt.f32 @p0 v7, $0.0e+00  }
0x70: {  	vm11 =	vlt.f32 @p0 v1, $0.0e+00;
	vm12 =	vlt.f32 @p0 v6, $0.0e+00;
	vm13 =	vgt.f32 @p0 v9, $0.0e+00  }
0x71: {  	vm14 =	vlt.f32 @p0 v8, $0.0e+00;
	vm2 =	vmor @p0 vm3, vm2;
	vm3 =	vgt.f32 @p0 v5, $0.0e+00  }
0x72: {  	vm0 =	vmor @p0 vm0, vm5;
	vm1 =	vmmov @p0 vm1;
	vm5 =	vmmov @p0 vm8  }
0x73: {  	v4 =	vld @p0 [tilespmem:$0x0];
	vm4 =	vmmov @p0 vm4;
	vm8 =	vmmov @p0 vm11;
	vm7 =	vmmov @p0 vm7  }
0x74: {  	v3 =	vld @p0 [tilespmem:$0x90];
	vm11 =	vmmov @p0 vm12;
	vm9 =	vmmov @p0 vm9;
	vm10 =	vmmov @p0 vm10  }
0x75: {  	v2 =	vld @p0 [tilespmem:$0x30];
	vm12 =	vmmov @p0 vm14;
	vm13 =	vmmov @p0 vm13;
	vm3 =	vmor @p0 vm3, vm6  }
0x76: {  	v6 =	vld @p0 [tilespmem:$0xF0];
	vm6 =	vgt.f32 @p0 v8, $0.0e+00;
	v8 =	vsel @p0 vm2, $0x1, v0;
	vm2 =	vlt.f32 @p0 v9, $0.0e+00  }
0x77: {  	v7 =	vld @p0 [tilespmem:$0xA0];
	vm0 =	vmmov @p0 vm0;
	vm1 =	vmor @p0 vm1, vm5;
	v1 =	vsel @p0 vm3, $0x1, v0  }
0x78: {  	v5 =	vld @p0 [tilespmem:$0x60];
	vm6 =	vmmov @p0 vm6;
	vm2 =	vmmov @p0 vm2;
	[tilespmem:$0x1B0] =	vst @p0 v8;
	v8 =	vsel @p0 vm1, $0x1, v0  }
0x79: {  	vm1 =	vmor @p0 vm4, vm8;
	vm4 =	vmor @p0 vm7, vm11;
	vm7 =	vmor @p0 vm9, vm10  }
0x7a: {  	[tilespmem:$0x120] =	vst @p0 v8;
	v8 =	vsel @p0 vm4, $0x1, v0;
	vm6 =	vmor @p0 vm6, vm12;
	vm2 =	vmor @p0 vm13, vm2  }
0x7b: {  	v9 =	vld @p0 [tilespmem:$0xC0];
	vm3 =	vgt.f32 @p0 v4, $0.0e+00;
	vm15 =	vgt.f32 @p0 v3, $0.0e+00;
	v2 =	vpsel p0, v2, v0  }
0x7c: {  	v6 =	vpsel p0, v6, v0;
	v7 =	vpsel p0, v7, v0;
	v4 =	vpsel p0, v4, v0  }
0x7d: {  	[tilespmem:$0x1E0] =	vst @p0 v1;
	v1 =	vpsel p0, v3, v0;
	v3 =	vsel @p0 vm0, $0x1, v0;
	v5 =	vpsel p0, v5, v0  }
0x7e: {  	[tilespmem:$0x150] =	vst @p0 v8;
	vm3 =	vmmov @p0 vm3;
	vm14 =	vmmov @p0 vm15;
	vm5 =	vgt.f32 @p0 v2, $0.0e+00  }
0x7f: {  	[tilespmem:$0x1D0] =	vst @p0 v3;
	v3 =	vsel @p0 vm1, $0x1, v0;
	vm1 =	vgt.f32 @p0 v6, $0.0e+00;
	vm4 =	vgt.f32 @p0 v7, $0.0e+00  }
0x80: {  	vm8 =	vlt.f32 @p0 v4, $0.0e+00;
	v4 =	vsel @p0 vm6, $0x1, v0;
	v9 =	vpsel p0, v9, v0;
	[tilespmem:$0x170] =	vst @p0 v3  }
0x81: {  	vm0 =	vgt.f32 @p0 v5, $0.0e+00;
	v3 =	vsel @p0 vm7, $0x1, v0;
	vm3 =	vmor @p0 vm3, vm8;
	[tilespmem:$0x110] =	vst @p0 v4  }
0x82: {  	vm7 =	vgt.f32 @p0 v9, $0.0e+00;
	[tilespmem:$0x140] =	vst @p0 v3;
	v3 =	vsel @p0 vm2, $0x1, v0;
	vm2 =	vlt.f32 @p0 v1, $0.0e+00  }
0x83: {  	v1 =	vsel @p0 vm3, $0x1, v0;
	vm3 =	vlt.f32 @p0 v2, $0.0e+00;
	[tilespmem:$0x180] =	vst @p0 v3;
	vm2 =	vmor @p0 vm14, vm2  }
0x84: {  	[tilespmem:$0x100] =	vst @p0 v1;
	vm3 =	vmor @p0 vm5, vm3;
	vm5 =	vlt.f32 @p0 v5, $0.0e+00;
	v1 =	vsel @p0 vm2, $0x1, v0  }
0x85: {  	v2 =	vsel @p0 vm3, $0x1, v0;
	vm0 =	vmor @p0 vm0, vm5;
	vm2 =	vlt.f32 @p0 v6, $0.0e+00;
	[tilespmem:$0x190] =	vst @p0 v1  }
0x86: {  	[tilespmem:$0x130] =	vst @p0 v2;
	v1 =	vsel @p0 vm0, $0x1, v0;
	vm0 =	vlt.f32 @p0 v7, $0.0e+00;
	vm1 =	vmor @p0 vm1, vm2  }
0x87: {  	vm2 =	vlt.f32 @p0 v9, $0.0e+00;
	[tilespmem:$0x160] =	vst @p0 v1;
	vm0 =	vmor @p0 vm4, vm0;
	v1 =	vsel @p0 vm1, $0x1, v0  }
0x88: {  	v2 =	vsel @p0 vm0, $0x1, v0;
	vm0 =	vmor @p0 vm7, vm2;
	[tilespmem:$0x1F0] =	vst @p0 v1  }
0x89: {  	[tilespmem:$0x1A0] =	vst @p0 v2;
	v1 =	vsel @p0 vm0, $0x1, v0  }
0x8a: {  	[tilespmem:$0x1C0] =	vst @p0 v1  }
0x8b: {  	[hbm4b:s4+s2] =	stream.linear.scatter @p0 [tilespmem:s5], [sflag:$0x1], $0x100, $0x38;
	[tilespmem:$0x200] =	vst v63  }
0x8c: {  	_ =	swait.ge @p0 [sflag:s3], $0x100  }
0x8d: {  	[sflag:s3] =	ssyncset.done @p0 $0x0  }
0x8e: {  	[sflag:s3] =	ssyncadd.s32 @p0 $0xFFFFFF00  }
0x8f: {  	[tilespmem:s2], [sflag:$0x1] =	stream.linear.gather [hbm4b:s6+s2], $0x100, $0x38;
	[tilespmem:$0x200] =	vst v63  }
0x90: {  	_ =	swait.ge [sflag:s3], $0x100  }
0x91: {  	[sflag:s3] =	ssyncset.done $0x0  }
0x92: {  	[sflag:s3] =	ssyncadd.s32 $0xFFFFFF00  }
0x93: {  	v32 =	vld [tilespmem:$0x70]  }
0x94: {  	v33 =	vld [tilespmem:$0x20]  }
0x95: {  	v34 =	vld [tilespmem:$0xD0]  }
0x96: {  	v35 =	vld [tilespmem:$0xB0]  }
0x97: {  	v36 =	vld [tilespmem:$0xE0]  }
0x98: {  	v37 =	vld [tilespmem:$0x50]  }
0x99: {  	v38 =	vld [tilespmem:$0x40]  }
0x9a: {  	v39 =	vld [tilespmem:$0x10]  }
0x9b: {  	v40 =	vld [tilespmem:$0x80];
	vm7 =	vgt.f32 v34, $0.0e+00  }
0x9c: {  	vm1 =	vgt.f32 v33, $0.0e+00;
	vm13 =	vlt.f32 v35, $0.0e+00;
	vm14 =	vgt.f32 v35, $0.0e+00  }
0x9d: {  	vm2 =	vgt.f32 v32, $0.0e+00;
	vm8 =	vlt.f32 v34, $0.0e+00;
	vm15 =	vlt.f32 v36, $0.0e+00  }
0x9e: {  	v43 =	vld [tilespmem:$0x30];
	vm3 =	vgt.f32 v37, $0.0e+00;
	vm6 =	vgt.f32 v36, $0.0e+00;
	vm9 =	vlt.f32 v33, $0.0e+00  }
0x9f: {  	v41 =	vld [tilespmem:$0x0];
	vm10 =	vgt.f32 v38, $0.0e+00;
	vm5 =	vgt.f32 v39, $0.0e+00;
	vm11 =	vlt.f32 v38, $0.0e+00  }
0xa0: {  	v44 =	vld [tilespmem:$0x60];
	vm12 =	vlt.f32 v32, $0.0e+00;
	vm0 =	vgt.f32 v40, $0.0e+00;
	vm4 =	vmor vm14, vm13  }
0xa1: {  	v42 =	vld [tilespmem:$0x90];
	vm6 =	vmor vm6, vm15;
	vm13 =	vlt.f32 v37, $0.0e+00;
	vm14 =	vlt.f32 v39, $0.0e+00  }
0xa2: {  	vm15 =	vlt.f32 v40, $0.0e+00;
	vm7 =	vmor vm7, vm8;
	v45 =	vsel vm6, $0x1, v0  }
0xa3: {  	v46 =	vld [tilespmem:$0xF0];
	vm1 =	vmor vm1, vm9;
	vm8 =	vgt.f32 v43, $0.0e+00;
	v48 =	vsel vm4, $0x1, v0;
	[tilespmem:$0x1E0] =	vst v45  }
0xa4: {  	v49 =	vld [tilespmem:$0xC0];
	vm2 =	vmor vm2, vm12;
	vm11 =	vmor vm10, vm11;
	v50 =	vsel vm7, $0x1, v0;
	[tilespmem:$0x1B0] =	vst v48  }
0xa5: {  	vm12 =	vlt.f32 v41, $0.0e+00;
	vm10 =	vlt.f32 v44, $0.0e+00;
	v51 =	vsel vm1, $0x1, v0;
	[tilespmem:$0x1D0] =	vst v50  }
0xa6: {  	vm6 =	vgt.f32 v41, $0.0e+00;
	vm4 =	vgt.f32 v42, $0.0e+00;
	v52 =	vsel vm2, $0x1, v0;
	[tilespmem:$0x120] =	vst v51  }
0xa7: {  	v47 =	vld [tilespmem:$0xA0];
	vm1 =	vgt.f32 v44, $0.0e+00;
	vm3 =	vmor vm3, vm13;
	v54 =	vsel vm11, $0x1, v0;
	[tilespmem:$0x170] =	vst v52  }
0xa8: {  	vm2 =	vgt.f32 v46, $0.0e+00;
	vm5 =	vmor vm5, vm14;
	v53 =	vsel vm3, $0x1, v0;
	[tilespmem:$0x140] =	vst v54  }
0xa9: {  	vm7 =	vgt.f32 v49, $0.0e+00;
	vm0 =	vmor vm0, vm15;
	v55 =	vsel vm5, $0x1, v0;
	[tilespmem:$0x150] =	vst v53  }
0xaa: {  	vm14 =	vlt.f32 v42, $0.0e+00;
	vm13 =	vmor vm6, vm12;
	v56 =	vsel vm0, $0x1, v0;
	[tilespmem:$0x110] =	vst v55  }
0xab: {  	vm15 =	vlt.f32 v43, $0.0e+00;
	vm0 =	vmor vm4, vm14;
	v57 =	vsel vm13, $0x1, v0;
	[tilespmem:$0x180] =	vst v56  }
0xac: {  	vm3 =	vgt.f32 v47, $0.0e+00;
	vm9 =	vmor vm8, vm15;
	v58 =	vsel vm0, $0x1, v0;
	[tilespmem:$0x100] =	vst v57  }
0xad: {  	vm11 =	vmor vm1, vm10;
	vm12 =	vlt.f32 v46, $0.0e+00;
	v59 =	vsel vm9, $0x1, v0;
	[tilespmem:$0x190] =	vst v58  }
0xae: {  	vm14 =	vlt.f32 v49, $0.0e+00;
	v60 =	vsel vm11, $0x1, v0;
	vm1 =	vmor vm2, vm12;
	[tilespmem:$0x130] =	vst v59  }
0xaf: {  	vm13 =	vlt.f32 v47, $0.0e+00;
	vm15 =	vmor vm7, vm14;
	[tilespmem:$0x160] =	vst v60;
	v61 =	vsel vm1, $0x1, v0  }
0xb0: {  	vm0 =	vmor vm3, vm13;
	v63 =	vsel vm15, $0x1, v0;
	[tilespmem:$0x1F0] =	vst v61  }
0xb1: {  	v62 =	vsel vm0, $0x1, v0;
	[tilespmem:$0x1C0] =	vst v63  }
0xb2: {  	[tilespmem:$0x1A0] =	vst v62  }
0xb3: {  	[hbm4b:s4+s2] =	stream.linear.scatter [tilespmem:s5], [sflag:$0x1], $0x100, $0x38;
	[tilespmem:$0x200] =	vst v63  }
0xb4: {  	_ =	swait.ge [sflag:s3], $0x100  }
0xb5: {  	[sflag:s3] =	ssyncset.done $0x0  }
0xb6: {  	[sflag:s3] =	ssyncadd.s32 $0xFFFFFF00  }
0xb7: {  	_ =	sfence.sel $0x180000  }
0xb8: {  	[bflag:$0x0] =	sbarrier.arrive $0xFFFF  }
0xb9: {  	p0 =	sne.s32 s1, $0x0;
	_ =	strace $0x90000047  }
0xba: {  	s0 =	sadd.s32 @!p0 $0x100000, s0;
	[bflag:$0x2] =	sbarrier.arrive $0xFFFF  }
0xbb: {  	[sflag:s0] =	ssyncadd.tile.s32 @!p0 $0x1;
	_ =	shalt  }
.LBB2_1:
.Ltmp4:
0xbc: {  	(pc) =	sbr.rel .LBB2_6-.Ltmp4, $2  }
0xbd: {  	_ =	sdelay $0x2  }
0xbe: {  	_ = 	snop  }
.LBB2_3:
.Ltmp5:
0xbf: {  	(pc) =	sbr.rel .LBB2_6-.Ltmp5, $2  }
0xc0: {  	_ =	sdelay $0x2  }
0xc1: {  	_ = 	snop  }
.Lfunc_end2:
_tile_overlayer_lowered:
.L_overlay_start_2:
0xc2: {  	(tag) =	ssettag $0x2  }
0xc3: {  	s0 =	rddreg [dreg:$0x0];
	s2 =	stileid.u32  }
0xc4: {  	s1 =	rddreg [dreg:$0x1];
	p0 =	sne.s32 s2, $0x0  }
0xc5: {  	s3 =	rddreg [dreg:$0x2];
	[bflag:$0x3] =	sbarrier.arrive $0xFFFF;
	s2 =	simm.s32 @!p0 $0x1C01  }
0xc6: {  	[timem:s3], [sflag:s2] =	dma.local @!p0 [hbm:s0], s1  }
0xc7: {  	s0 =	simm.s32 @!p0 $0x1  }
0xc8: {  	_ =	swait.ge @!p0 [sflag:s0], s1  }
0xc9: {  	s1 =	ssub.s32 @!p0 $0x0, s1;
	[sflag:s0] =	ssyncset.done @!p0 $0x0  }
0xca: {  	[sflag:s0] =	ssyncadd.s32 @!p0 s1  }
0xcb: {  	[bflag:$0x3] =	sbarrier.arrive $0xFFFF  }
0xcc: {  	_ =	shalt  }

</sc_bundles>
